<compile_context>
chip_gen: v7x
topology: tpu7x:2x2x1
jax: 0.10.2.dev20260603
libtpu: 0.0.44.dev20260713+nightly
codegen_flags: <defaults>
</compile_context>

<pallas_src>
import jax
import jax.numpy as jnp
import numpy as np
from jax.experimental import pallas as pl
from jax.experimental.pallas import tpu as pltpu

_G = 256


def _reduce_body(f_ref, o_ref):
    f = f_ref[...]
    mean = jnp.mean(f, axis=1, keepdims=True)
    mx = jnp.max(f, axis=1, keepdims=True)
    o_ref[...] = jnp.concatenate([mean, mx], axis=1)


def _apply_body(f_ref, conv_ref, o_ref):
    att = jax.nn.sigmoid(conv_ref[...])
    o_ref[...] = f_ref[...] * att


def _rowblocks(n, b):
    return (n + b - 1) // b


def kernel(features, indices, W):
    n, c = features.shape
    B = 512

    feat2 = pl.pallas_call(
        _reduce_body,
        grid=(_rowblocks(n, B),),
        in_specs=[pl.BlockSpec((B, c), lambda i: (i, 0))],
        out_specs=pl.BlockSpec((B, 2), lambda i: (i, 0)),
        out_shape=jax.ShapeDtypeStruct((n, 2), features.dtype),
    )(features)

    idx = indices.astype(jnp.uint32)
    b_, z, y, x = idx[:, 0], idx[:, 1], idx[:, 2], idx[:, 3]
    keys = ((b_ * _G + z) * _G + y) * _G + x

    order = jnp.argsort(keys)
    skeys = keys[order]
    sfeat2 = feat2[order]
    sa, sm = sfeat2[:, 0], sfeat2[:, 1]

    offs = np.array([(dz, dy, dx)
                     for dz in (-1, 0, 1) for dy in (-1, 0, 1) for dx in (-1, 0, 1)],
                    dtype=np.int64)
    deltas = jnp.asarray(
        (offs[:, 0] * _G * _G + offs[:, 1] * _G + offs[:, 2]).astype(np.uint32))
    dz = jnp.asarray(offs[:, 0].astype(np.int32))
    dy = jnp.asarray(offs[:, 1].astype(np.int32))
    dx = jnp.asarray(offs[:, 2].astype(np.int32))

    zi = z.astype(jnp.int32)[None, :]
    yi = y.astype(jnp.int32)[None, :]
    xi = x.astype(jnp.int32)[None, :]
    nz = zi + dz[:, None]
    ny = yi + dy[:, None]
    nx = xi + dx[:, None]
    valid = ((nz >= 0) & (nz < _G) & (ny >= 0) & (ny < _G)
             & (nx >= 0) & (nx < _G))

    nk = keys[None, :] + deltas[:, None]
    pos = jnp.searchsorted(skeys, nk)
    pos = jnp.clip(pos, 0, n - 1)
    match = (skeys[pos] == nk) & valid

    wa = W[:, 0, 0]
    wm = W[:, 1, 0]
    contrib = (sa[pos] * wa[:, None] + sm[pos] * wm[:, None])
    conv = jnp.sum(jnp.where(match, contrib, 0.0), axis=0)[:, None]

    out = pl.pallas_call(
        _apply_body,
        grid=(_rowblocks(n, B),),
        in_specs=[pl.BlockSpec((B, c), lambda i: (i, 0)),
                  pl.BlockSpec((B, 1), lambda i: (i, 0))],
        out_specs=pl.BlockSpec((B, c), lambda i: (i, 0)),
        out_shape=jax.ShapeDtypeStruct((n, c), features.dtype),
    )(features, conv)
    return out

# --- scband reference (transcript-rebuilt; emitter-appended) ---
"""Pipeline reference for scband-salayer-83717502534258 (READ-ONLY COPY).

The authoritative reference and input builder live on the scoring server;
editing this copy changes nothing except your own understanding.
"""

import jax, jax.numpy as jnp
import numpy as np

GRID = 256
N = 100000
C = 128


def setup_inputs(seed: int = 0) -> dict:
    key = jax.random.key(seed)
    k1, k2, k3 = jax.random.split(key, 3)
    features = jax.random.normal(k1, (N, C), dtype=jnp.float32)
    indices = jax.random.randint(k2, (N, 4), 0, GRID, dtype=jnp.int32)
    # SubMConv3d(2 -> 1, kernel_size=3, padding=1, bias=False): 27 kernel taps, each (2, 1)
    W = jax.random.normal(k3, (27, 2, 1), dtype=jnp.float32) * (1.0 / np.sqrt(2.0 * 27.0))
    return {"features": features, "indices": indices, "W": W}


def _subm_conv3d(feat2, indices, W):
    # Submanifold sparse 3D conv: output sites == input sites.
    # Neighbor lookup via linearized voxel keys + sorted searchsorted (hash-map equivalent).
    idx = indices.astype(jnp.int64)
    b, z, y, x = idx[:, 0], idx[:, 1], idx[:, 2], idx[:, 3]
    g = jnp.int64(GRID)
    keys = ((b * g + z) * g + y) * g + x
    order = jnp.argsort(keys)
    skeys = keys[order]
    n = feat2.shape[0]
    out = jnp.zeros((n, 1), dtype=feat2.dtype)
    kidx = 0
    for dz in (-1, 0, 1):
        for dy in (-1, 0, 1):
            for dx in (-1, 0, 1):
                nz = z + dz
                ny = y + dy
                nx = x + dx
                valid = (nz >= 0) & (nz < g) & (ny >= 0) & (ny < g) & (nx >= 0) & (nx < g)
                nk = ((b * g + nz) * g + ny) * g + nx
                pos = jnp.searchsorted(skeys, nk)
                pos = jnp.clip(pos, 0, n - 1)
                match = (skeys[pos] == nk) & valid
                src = order[pos]
                gathered = feat2[src] * match[:, None].astype(feat2.dtype)
                out = out + gathered @ W[kidx]
                kidx += 1
    return out


def reference(features, indices, W):
    # avg/max over channels -> (N, 2) 'features' on the same sparse sites
    avg_out = jnp.mean(features, axis=1, keepdims=True)
    max_out = jnp.max(features, axis=1, keepdims=True)
    feat2 = jnp.concatenate([avg_out, max_out], axis=1)
    conv = _subm_conv3d(feat2, indices, W)  # (N, 1)
    att = jax.nn.sigmoid(conv)
    return features * att  # broadcast (N, C) * (N, 1)

if __name__ == "__main__":
    import jax
    _d = setup_inputs()
    print(jax.jit(kernel)(*tuple(_d.values())))

</pallas_src>

<mosaic_0001>
module attributes {stable_mosaic.version = 14 : i64} {
  func.func @_reduce_body(%arg0: i32, %arg1: memref<512x128xf32, #tpu.memory_space<vmem>>, %arg2: memref<512x2xf32, #tpu.memory_space<vmem>>) attributes {dimension_semantics = [#tpu.dimension_semantics<arbitrary>], iteration_bounds = array<i64: 196>, scalar_prefetch = 0 : i64, scratch_operands = 0 : i64, tpu.core_type = #tpu.core_type<tc>, window_params = [{transform_indices = @transform_0, window_bounds = array<i64: 512, 128>}, {transform_indices = @transform_1, window_bounds = array<i64: 512, 2>}]} {
    %get3A = arith.constant 0 : index
    %get3A_0 = arith.constant 0 : index
    %get3A_1 = vector.load %arg1[%get3A, %get3A_0] : memref<512x128xf32, #tpu.memory_space<vmem>>, vector<512x128xf32>
    %reduce_sum3A = arith.constant dense<0.000000e+00> : vector<512xf32>
    %reduce_sum3A_2 = vector.multi_reduction <add>, %get3A_1, %reduce_sum3A [1] : vector<512x128xf32> to vector<512xf32>
    %broadcast_in_dim3A = vector.shape_cast %reduce_sum3A_2 : vector<512xf32> to vector<512x1xf32>
    %div3A = arith.constant 1.280000e+02 : f32
    %div3A_3 = vector.broadcast %div3A : f32 to vector<512x1xf32>
    %div3A_4 = arith.divf %broadcast_in_dim3A, %div3A_3 : vector<512x1xf32>
    %reduce_max3A = arith.constant dense<0xFF800000> : vector<512xf32>
    %reduce_max3A_5 = vector.multi_reduction <maximumf>, %get3A_1, %reduce_max3A [1] : vector<512x128xf32> to vector<512xf32>
    %broadcast_in_dim3A_6 = vector.shape_cast %reduce_max3A_5 : vector<512xf32> to vector<512x1xf32>
    %concatenate3A = tpu.concatenate %div3A_4, %broadcast_in_dim3A_6 in 1 : vector<512x1xf32>, vector<512x1xf32> -> vector<512x2xf32>
    %swap3A = arith.constant 0 : index
    %swap3A_7 = arith.constant 0 : index
    %swap3A_8 = vector.load %arg2[%swap3A, %swap3A_7] : memref<512x2xf32, #tpu.memory_space<vmem>>, vector<512x2xf32>
    tpu.vector_store %arg2[%swap3A, %swap3A_7], %concatenate3A {strides = array<i32>} : memref<512x2xf32, #tpu.memory_space<vmem>>, vector<512x2xf32>,
    return
  }
  func.func @transform_0(%arg0: i32) -> (i32, i32) {
    %c0_i32 = arith.constant 0 : i32
    %c0_i32_0 = arith.constant 0 : i32
    return %arg0, %c0_i32 : i32, i32
  }
  func.func @transform_1(%arg0: i32) -> (i32, i32) {
    %c0_i32 = arith.constant 0 : i32
    %c0_i32_0 = arith.constant 0 : i32
    return %arg0, %c0_i32 : i32, i32
  }
}

module attributes {stable_mosaic.version = 14 : i64} {
  func.func @_apply_body(%arg0: i32, %arg1: memref<512x128xf32, #tpu.memory_space<vmem>>, %arg2: memref<512x1xf32, #tpu.memory_space<vmem>>, %arg3: memref<512x128xf32, #tpu.memory_space<vmem>>) attributes {dimension_semantics = [#tpu.dimension_semantics<arbitrary>], iteration_bounds = array<i64: 196>, scalar_prefetch = 0 : i64, scratch_operands = 0 : i64, tpu.core_type = #tpu.core_type<tc>, window_params = [{transform_indices = @transform_0, window_bounds = array<i64: 512, 128>}, {transform_indices = @transform_1, window_bounds = array<i64: 512, 1>}, {transform_indices = @transform_2, window_bounds = array<i64: 512, 128>}]} {
    %get3A = arith.constant 0 : index
    %get3A_0 = arith.constant 0 : index
    %get3A_1 = vector.load %arg2[%get3A, %get3A_0] : memref<512x1xf32, #tpu.memory_space<vmem>>, vector<512x1xf32>
    %logistic3A = arith.negf %get3A_1 : vector<512x1xf32>
    %logistic3A_2 = math.exp %logistic3A : vector<512x1xf32>
    %logistic3A_3 = arith.constant 1.000000e+00 : f32
    %logistic3A_4 = vector.broadcast %logistic3A_3 : f32 to vector<512x1xf32>
    %logistic3A_5 = arith.addf %logistic3A_4, %logistic3A_2 : vector<512x1xf32>
    %logistic3A_6 = arith.divf %logistic3A_4, %logistic3A_5 : vector<512x1xf32>
    %get3A_7 = arith.constant 0 : index
    %get3A_8 = arith.constant 0 : index
    %get3A_9 = vector.load %arg1[%get3A_7, %get3A_8] : memref<512x128xf32, #tpu.memory_space<vmem>>, vector<512x128xf32>
    %mul3A = vector.broadcast %logistic3A_6 : vector<512x1xf32> to vector<512x128xf32>
    %mul3A_10 = arith.mulf %get3A_9, %mul3A : vector<512x128xf32>
    %swap3A = arith.constant 0 : index
    %swap3A_11 = arith.constant 0 : index
    %swap3A_12 = vector.load %arg3[%swap3A, %swap3A_11] : memref<512x128xf32, #tpu.memory_space<vmem>>, vector<512x128xf32>
    tpu.vector_store %arg3[%swap3A, %swap3A_11], %mul3A_10 {strides = array<i32>} : memref<512x128xf32, #tpu.memory_space<vmem>>, vector<512x128xf32>,
    return
  }
  func.func @transform_0(%arg0: i32) -> (i32, i32) {
    %c0_i32 = arith.constant 0 : i32
    %c0_i32_0 = arith.constant 0 : i32
    return %arg0, %c0_i32 : i32, i32
  }
  func.func @transform_1(%arg0: i32) -> (i32, i32) {
    %c0_i32 = arith.constant 0 : i32
    %c0_i32_0 = arith.constant 0 : i32
    return %arg0, %c0_i32 : i32, i32
  }
  func.func @transform_2(%arg0: i32) -> (i32, i32) {
    %c0_i32 = arith.constant 0 : i32
    %c0_i32_0 = arith.constant 0 : i32
    return %arg0, %c0_i32 : i32, i32
  }
}

</mosaic_0001>

<sc_bundles>
// kernel: gather_offload_async_start.1
scs
__scs_entry_jumppad:
0x0: {  	(pc) =	sbr.rel $0x88, $3  }
0x1: {  	(tag) =	ssettag $0x0;
	lr =	simm.s32 $0x1  }
0x2: {  	[smem:$0x3F9E] =	sst lr;
	_ =	strace $0xD0000000  }
0x3: {  	_ = 	snop  }
0x4: {  	_ = 	snop  }
0x5: {  	_ = 	snop  }
0x6: {  	_ = 	snop  }
0x7: {  	_ = 	snop  }
__scs_overlays_trampoline_lowered:
0x8: {  	[smem:$0x3FAD] =	sst s0  }
0x9: {  	[smem:$0x3FAE] =	sst s1  }
0xa: {  	[smem:$0x3FAF] =	sst s2  }
0xb: {  	[smem:$0x3FB0] =	sst s3  }
0xc: {  	[smem:$0x3FB1] =	sst s4  }
0xd: {  	[smem:$0x3FB2] =	sst s5  }
0xe: {  	[smem:$0x3FB3] =	sst s6  }
0xf: {  	[smem:$0x3FB4] =	sst s7  }
0x10: {  	[smem:$0x3FB5] =	sst s8  }
0x11: {  	[smem:$0x3FB6] =	sst s9;
	s0 =	simm.s32 @!p0 $0x0  }
0x12: {  	s1 =	sld [smem:$0x3F9C];
	s0 =	simm.s32 @p0 $0x1  }
0x13: {  	[smem:$0x3FB7] =	sst s0;
	s0 =	simm.s32 @!p1 $0x0  }
0x14: {  	s2 =	sld [smem:$0x3F9B];
	s0 =	simm.s32 @p1 $0x1  }
0x15: {  	[smem:$0x3FB8] =	sst s0;
	s0 =	simm.s32 @!p2 $0x0  }
0x16: {  	s3 =	sld [smem:$0x3FDB];
	s0 =	simm.s32 @p2 $0x1  }
0x17: {  	s4 =	simm.s32 $0x1BF5;
	[smem:$0x3FBA] =	sst s0  }
0x18: {  	s0 =	sld [smem:$0x3F9D];
	_ =	swait.ge [sflag:s4], $0x0  }
0x19: {  	s7 =	sld [smem:$0x3F9E]  }
0x1a: {  	s8 =	sadd.s32 $0xFFFFE003, lr  }
0x1b: {  	s9 =	sadd.s32 $0xFFFFFEF7, lr;
	s5 =	simm.s32 $0xFFFFFFFF;
	p2 =	slt.u32 s8, $0xFFFFF086  }
0x1c: {  	p1 =	slt.u32 s9, $0xF7A;
	s5 =	simm.s32 @!p2 $0x0  }
0x1d: {  	s5 =	simm.s32 @p1 $0x1;
	p0 =	seq.s32 s7, s2  }
0x1e: {  	s7 =	smul.u32 @!p0 $0xF7A, s2;
	p2 =	seq.s32 @!p0 s5, $0x0  }
0x1f: {  	s9 =	smul.u32 $0xF7A, s1;
	s8 =	simm.s32 @!p0 $0x1BF5;
	p2 =	por !p2, p0  }
0x20: {  	[sflag:s8] =	ssyncset.s32 @!p0 $0xFFFFF086;
	s6 =	sadd.s32 @!p0 s3, s7;
	s7 =	simm.s32 @!p0 $0x108  }
0x21: {  	s3 =	sadd.s32 s3, s9;
	s6 =	sadd.s32 @!p0 $0x88, s6;
	s7 =	simm.s32 @p2 $0x1082  }
0x22: {  	[simem:s7], [sflag:s8] =	dma.local @!p0 [hbm:s6], $0xF7A  }
0x23: {  	s9 =	sor.u32 $0xD0000000, s2;
	s6 =	simm.s32 $0x108;
	_ =	swait.ge @!p0 [sflag:s8], $0x0  }
0x24: {  	s3 =	sadd.s32 $0x88, s3;
	s6 =	simm.s32 @!p1 $0x1082;
	[sflag:s4] =	ssyncset.s32 $0xFFFFF086  }
0x25: {  	[simem:s6], [sflag:s4] =	dma.local [hbm:s3], $0xF7A  }
0x26: {  	[smem:$0x3F9E] =	sst s1;
	(tag) =	ssettag s2;
	_ =	strace s9  }
0x27: {  	s1 =	sld [smem:$0x3FAE]  }
0x28: {  	s2 =	sld [smem:$0x3FAF]  }
0x29: {  	s4 =	sld [smem:$0x3FB1]  }
0x2a: {  	p0 =	seq.s32 s5, $0x0;
	s5 =	sld [smem:$0x3FB2]  }
0x2b: {  	s6 =	sld [smem:$0x3FB3]  }
0x2c: {  	s7 =	sld [smem:$0x3FB4]  }
0x2d: {  	s3 =	simm.s32 $0x108;
	s8 =	sld [smem:$0x3FB5]  }
0x2e: {  	s3 =	simm.s32 @!p0 $0x1082;
	s9 =	sld [smem:$0x3FB6]  }
0x2f: {  	lr =	sadd.s32 s0, s3;
	s0 =	sld [smem:$0x3FAD]  }
0x30: {  	s3 =	sld [smem:$0x3FB0]  }
0x31: {  	[smem:$0x3FB9] =	sst s10  }
0x32: {  	s10 =	sld [smem:$0x3FB7];
	_ =	sdelay $0x3  }
0x33: {  	p0 =	seq.s32 s10, $0x1;
	s10 =	sld [smem:$0x3FB9];
	_ =	sdelay $0x3  }
0x34: {  	[smem:$0x3FB9] =	sst s10  }
0x35: {  	s10 =	sld [smem:$0x3FB8];
	_ =	sdelay $0x3  }
0x36: {  	p1 =	seq.s32 s10, $0x1;
	s10 =	sld [smem:$0x3FB9];
	_ =	sdelay $0x3  }
0x37: {  	[smem:$0x3FB9] =	sst s10  }
0x38: {  	s10 =	sld [smem:$0x3FBA]  }
0x39: {  	_ = 	snop;
	(pc) =	sbr.ind lr, $3  }
0x3a: {  	_ = 	snop  }
0x3b: {  	_ = 	snop  }
0x3c: {  	p2 =	seq.s32 s10, $0x1;
	s10 =	sld [smem:$0x3FB9]  }
0x3d: {  	_ =	shalt  }
0x3e: {  	_ =	shalt  }
0x3f: {  	_ =	shalt  }
0x40: {  	_ =	shalt  }
0x41: {  	_ =	shalt  }
0x42: {  	_ =	shalt  }
0x43: {  	_ =	shalt  }
0x44: {  	_ =	shalt  }
0x45: {  	_ =	shalt  }
0x46: {  	_ =	shalt  }
0x47: {  	_ =	shalt  }
0x48: {  	_ =	shalt  }
0x49: {  	_ =	shalt  }
0x4a: {  	_ =	shalt  }
0x4b: {  	_ =	shalt  }
0x4c: {  	_ =	shalt  }
0x4d: {  	_ =	shalt  }
0x4e: {  	_ =	shalt  }
0x4f: {  	_ =	shalt  }
0x50: {  	_ =	shalt  }
0x51: {  	_ =	shalt  }
0x52: {  	_ =	shalt  }
0x53: {  	_ =	shalt  }
0x54: {  	_ =	shalt  }
0x55: {  	_ =	shalt  }
0x56: {  	_ =	shalt  }
0x57: {  	_ =	shalt  }
0x58: {  	_ =	shalt  }
0x59: {  	_ =	shalt  }
0x5a: {  	_ =	shalt  }
0x5b: {  	_ =	shalt  }
0x5c: {  	_ =	shalt  }
0x5d: {  	_ =	shalt  }
0x5e: {  	_ =	shalt  }
0x5f: {  	_ =	shalt  }
0x60: {  	_ =	shalt  }
0x61: {  	_ =	shalt  }
0x62: {  	_ =	shalt  }
0x63: {  	_ =	shalt  }
0x64: {  	_ =	shalt  }
0x65: {  	_ =	shalt  }
0x66: {  	_ =	shalt  }
0x67: {  	_ =	shalt  }
0x68: {  	_ =	shalt  }
0x69: {  	_ =	shalt  }
0x6a: {  	_ =	shalt  }
0x6b: {  	_ =	shalt  }
0x6c: {  	_ =	shalt  }
0x6d: {  	_ =	shalt  }
0x6e: {  	_ =	shalt  }
0x6f: {  	_ =	shalt  }
0x70: {  	_ =	shalt  }
0x71: {  	_ =	shalt  }
0x72: {  	_ =	shalt  }
0x73: {  	_ =	shalt  }
0x74: {  	_ =	shalt  }
0x75: {  	_ =	shalt  }
0x76: {  	_ =	shalt  }
0x77: {  	_ =	shalt  }
0x78: {  	_ =	shalt  }
0x79: {  	_ =	shalt  }
0x7a: {  	_ =	shalt  }
0x7b: {  	_ =	shalt  }
0x7c: {  	_ =	shalt  }
0x7d: {  	_ =	shalt  }
0x7e: {  	_ =	shalt  }
0x7f: {  	_ =	shalt  }
0x80: {  	_ =	shalt  }
0x81: {  	_ =	shalt  }
0x82: {  	_ =	shalt  }
0x83: {  	_ =	shalt  }
0x84: {  	_ =	shalt  }
0x85: {  	_ =	shalt  }
0x86: {  	_ =	shalt  }
0x87: {  	_ =	shalt  }
.Lfunc_end0:
.L_simem_size_0:
called_computation.1_lowered:
.L_overlay_start_0:
0x88: {  	s2 =	sld [smem:$0x3FD9]  }
0x89: {  	s3 =	sld [smem:$0x3FFE];
	_ =	sdelay $0x1  }
0x8a: {  	s1 =	srdreg.scid  }
0x8b: {  	s0 =	sand.u32 $0x1, s1  }
0x8c: {  	s17 =	sshll.u32 s0, $0xA;
	s2 =	sadd.s32 s3, s2  }
0x8d: {  	s2 =	sadd.s32 s2, s17  }
0x8e: {  	[smem:$0x3FC5] =	sst s2  }
0x8f: {  	_ = 	snop  }
0x90: {  	s2 =	sld [smem:$0x3FD0];
	(tm) =	ssettm $0x1  }
0x91: {  	s18 =	sld [smem:$0x3FFB];
	_ =	sdelay $0x3  }
0x92: {  	_ =	strace s18  }
0x93: {  	s3 =	sld [smem:$0x3FFC];
	_ =	sdelay $0x3  }
0x94: {  	_ =	strace s3  }
0x95: {  	s3 =	sld [smem:$0x3FFD];
	_ =	sdelay $0x3  }
0x96: {  	_ =	strace s3  }
0x97: {  	_ =	strace $0x8FFFFFFF  }
0x98: {  	s19 =	sld [smem:$0x3FDB];
	_ =	sdelay $0x1  }
0x99: {  	s4 =	simm.s32 $_scs_section_size  }
0x9a: {  	s5 =	simm.s32 $_size__tile_overlayer_lowered;
	s6 =	simm.s32 $_tile_overlayer_lowered  }
0x9b: {  	s22 =	simm.s32 $0x1BFF;
	s21 =	sshll.u32 s6, $0x1;
	s3 =	sadd.s32 s4, s19  }
0x9c: {  	s7 =	simm.s32 $0x0;
	s20 =	sshll.u32 s5, $0x1;
	s5 =	sadd.s32 s21, s3  }
0x9d: {  	[timem:s7], [sflag:s22] =	dma.local [hbm:s5], s20  }
0x9e: {  	_ =	swait.ge [sflag:s22], s20  }
0x9f: {  	s4 =	ssub.s32 $0x0, s20;
	[sflag:s22] =	ssyncset.done $0x0  }
0xa0: {  	[sflag:s22] =	ssyncadd.s32 s4;
	_ =	sdelay $0x1  }
0xa1: {  	s23 =	simm.s32 $0x1B8B  }
0xa2: {  	_ =	swait.ge [sflag:s23], $0x1  }
0xa3: {  	[sflag:s23] =	ssyncset.done $0x0  }
0xa4: {  	s25 =	simm.s32 $0x1B8E;
	s24 =	sld [smem:$0x3FFE];
	[sflag:s23] =	ssyncadd.s32 $0xFFFFFFFF  }
0xa5: {  	s26 =	simm.s32 $execute0_lowered;
	[smem:$0x3FD2] =	sst s25  }
0xa6: {  	s5 =	sshll.u32 s26, $0x1;
	_ =	strace $0x80000049;
	[dreg:$0x1] =	wrdreg $0xFFFFFFFF  }
0xa7: {  	s28 =	simm.s32 $_size_execute0_lowered;
	s3 =	sadd.s32 s3, s5;
	[dreg:$0x0] =	wrdreg $0x0  }
0xa8: {  	s5 =	sshll.u32 s28, $0x1;
	[dreg:$0x2] =	wrdreg s3  }
0xa9: {  	[dreg:$0x3] =	wrdreg s5  }
0xaa: {  	[dreg:$0x4] =	wrdreg $0xC0  }
0xab: {  	_ =	task [dreg:s7], $0x5FFFF  }
0xac: {  	[dreg:$0x1] =	wrdreg $0xFFFFFFFF  }
0xad: {  	[dreg:$0x0] =	wrdreg $0x60  }
0xae: {  	[dreg:$0x2] =	wrdreg s2  }
0xaf: {  	[dreg:$0x3] =	wrdreg s24  }
0xb0: {  	[dreg:$0x4] =	wrdreg $0x9  }
0xb1: {  	_ =	task.clear_ibuf [dreg:s7], $0x5FFFF;
	_ =	strace $0x90000049  }
0xb2: {  	s29 =	simm.s32 $0x9;
	_ =	strace $0x8000004B  }
0xb3: {  	_ =	swait.ge [sflag:s29], $0x1  }
0xb4: {  	[sflag:s29] =	ssyncadd.s32 $0xFFFFFFFF  }
0xb5: {  	_ =	strace $0x9000004B  }
0xb6: {  	_ =	sfence  }
0xb7: {  	s30 =	sld [smem:$0x0];
	_ =	sdelay $0x2  }
0xb8: {  	s31 =	sshll.u32 s1, $0xD;
	s1 =	sshrl.u32 s1, $0x2  }
0xb9: {  	s3 =	sand.u32 $0x4000, s31;
	s1 =	sadd.s32 s1, s30  }
0xba: {  	s0 =	sor.u32 s3, s0;
	s1 =	sshll.u32 s1, $0x11  }
0xbb: {  	s0 =	sor.u32 s1, s0  }
0xbc: {  	s0 =	sadd.s32 $0x8F2B, s0  }
0xbd: {  	[sflag:s0] =	ssyncadd.remote.s32 $0x1  }
0xbe: {  	_ =	sfence.sel $0xFFFF  }
0xbf: {  	[dreg:$0x0] =	wrdreg $0xFFFFFFFF;
	(pc) =	sbr.abs _section_cstart, $3  }
0xc0: {  	[dreg:$0x1] =	wrdreg $0xFFFFFFFF  }
0xc1: {  	_ =	task.clear_ibuf [dreg:s7], $0x2FFFF;
	_ =	strace $0x9FFFFFFF  }
0xc2: {  	(tm) =	ssettm $0x7FFFFFFF  }
0xc3: {  	_ =	shalt  }
tec
execute0_lowered:
.L_overlay_start_1:
0x0: {  	(tag) =	ssettag $0x1  }
0x1: {  	s0 =	srdreg.scid  }
0x2: {  	s1 =	sshll.u32 s0, $0x4  }
0x3: {  	s0 =	stileid.u32;
	s1 =	sand.u32 $0x10, s1  }
0x4: {  	s2 =	sor.u32 s0, s1  }
0x5: {  	s1 =	smul.u32 $0x7, s2  }
0x6: {  	s3 =	smin.u32 s2, $0x1A  }
0x7: {  	s1 =	sadd.s32 s3, s1  }
0x8: {  	p0 =	slt.u32 s2, $0x1A;
	s2 =	simm.s32 $0xC80;
	s1 =	smul.u32 $0x190, s1  }
0x9: {  	s2 =	simm.s32 @!p0 $0xAF0  }
0xa: {  	s2 =	sadd.s32 s2, s1  }
0xb: {  	s3 =	smin.u32 s2, $0x186A0  }
0xc: {  	s7 =	ssub.s32 s3, s1  }
0xd: {  	p0 =	sgt.s32 s7, $0x0  }
0xe: {  	s7 =	simm.s32 @!p0 $0x0  }
0xf: {  	s4 =	rddreg [dreg:$0x0];
	s31 =	smulhi.u32 $0x51EB851F, s7  }
0x10: {  	s9 =	rddreg [dreg:$0x1];
	s6 =	simm.s32 $0x1  }
0x11: {  	s11 =	simm.s32 $0x3;
	s13 =	simm.s32 $0x0;
	s8 =	sshrl.u32 s31, $0x7  }
0x12: {  	s12 =	simm.s32 $0x0;
	s5 =	sadd.s32 $0xD0800, s9;
	s10 =	smul.u32 $0x190, s8  }
.Ltmp0:
0x13: {  	s9 =	sadd.s32 $0xD7200, s9;
	s2 =	rddreg [dreg:$0x2];
	(pc) =	sbr.rel .LBB2_1-.Ltmp0, $4  }
0x14: {  	_ =	strace $0x8000004A;
	p0 =	sne.s32 s7, s10;
	s10 =	simm.s32 $0x1  }
0x15: {  	[sflag:s6] =	ssyncpa.u1 $0x0;
	s7 =	simm.s32 $0x2;
	s10 =	simm.s32 @!p0 $0x0  }
0x16: {  	[sflag:s7] =	ssyncpa.u1 $0x0;
	p0 =	por $0x0, $0x0;
	s8 =	sadd.s32 s10, s8  }
0x17: {  	vm0 =	vmmov $0xff;
	vm1 =	vcmask $0x3F20;
	[sflag:s11] =	ssyncpa.u1 $0x0;
	s11 =	smov.u32 s1;
	s10 =	sadd.s32 $0x1, s8  }
.LBB2_6:
0x18: {  	[hbm:s17] =	stream.linear.scatter [tilespmem:s14], [sflag:$0x3], $0x400, $0x38;
	[tilespmem:$0x19320] =	vst v63  }
.LBB2_7:
0x19: {  	s13 =	sadd.s32 $0x190, s11  }
0x1a: {  	s15 =	smov.u32 s1;
	p2 =	slt.s32 s13, s3  }
0x1b: {  	s15 =	smov.u32 @p2 s13;
	p2 =	sne.s32 s12, s10  }
.Ltmp1:
0x1c: {  	p1 =	slt.u32 s12, $0x2;
	(pc) =	sbr.rel @!p2 .LBB2_8-.Ltmp1, $4  }
0x1d: {  	s14 =	simm.s32 @!p1 $0x3  }
0x1e: {  	s16 =	sadd.s32 $0x1, s12;
	_ =	swait.ge @!p1 [sflag:s14], $0xC800  }
0x1f: {  	p0 =	por !p0, !p0;
	s13 =	smov.u32 s11;
	[sflag:s14] =	ssyncset.done @!p1 $0x0  }
0x20: {  	s12 =	smov.u32 s16;
	s11 =	smov.u32 s15;
	[sflag:s14] =	ssyncadd.s32 @!p1 $0xFFFF3800  }
.LBB2_1:
0x21: {  	p1 =	sge.u32 s12, s8  }
0x22: {  	s14 =	sxor.u32 @!p1 $0xFFFFFFFF, s12  }
0x23: {  	s14 =	sand.u32 @!p1 $0x1, s14  }
0x24: {  	s14 =	smul.u32 @!p1 $0x640, s14  }
0x25: {  	s31 =	sadd.s32 $0xFFFFFFFF, s12;
	s15 =	sshrl.u32 @!p1 s11, $0x3  }
0x26: {  	s16 =	sand.u32 @!p1 $0x7, s11;
	s15 =	sadd.s32 @!p1 s5, s15;
	s14 =	sshrl.u32 @!p1 s14, $0x2  }
0x27: {  	[tilespmem:s14], [sflag:$0x2] =	stream.linear.gather @!p1 [hbm4b:s15+s16], $0x190, $0x38;
	[tilespmem:$0x19320] =	vst v63  }
0x28: {  	p1 =	sge.u32 s31, s8  }
.Ltmp2:
0x29: {  	_ = 	snop;
	(pc) =	sbr.rel @p1 .LBB2_7-.Ltmp2, $1  }
0x2a: {  	_ =	sdelay $0x3  }
0x2b: {  	s14 =	simm.s32 $0x1  }
0x2c: {  	s14 =	simm.s32 @!p0 $0x0  }
0x2d: {  	s15 =	smul.u32 $0x640, s14  }
0x2e: {  	_ =	swait.ge [sflag:s7], $0x190  }
0x2f: {  	[sflag:s7] =	ssyncset.done $0x0;
	s16 =	sshrl.u32 s15, $0x2  }
0x30: {  	[sflag:s7] =	ssyncadd.s32 $0xFFFFFE70;
	s15 =	sadd.s32 $0x0, s16  }
0x31: {  	v0 =	vld.msk [tilespmem:s15+$0x0 ss:$0x1], $0xffff;
	_ =	sdelay $0x4  }
0x32: {  	vm2 =	vgt.s32 v0, $0x0  }
0x33: {  	v0 =	vnsel vm2, $0x0, v0  }
0x34: {  	v0 =	vmin.u32 v0, $0x1869F  }
0x35: {  	v0 =	vshll.u32 v0, $0x4  }
0x36: {  	s14 =	smul.u32 $0x32000, s14;
	_ =	sdelay $0x1  }
0x37: {  	s14 =	sshrl.u32 s14, $0x2  }
0x38: {  	s14 =	sor.u32 $0x320, s14  }
0x39: {  	[tilespmem:s14], [sflag:$0x1] =	stream.indirect_vreg.gather [hbm:s4], $0x80, v0, vm0, $0x38;
	[tilespmem:$0x19320] =	vst v63  }
0x3a: {  	s17 =	sadd.s32 $0x10, s16;
	s15 =	sadd.s32 $0x400, s14  }
0x3b: {  	[tilespmem:s15], [sflag:$0x1] =	stream.indirect_vreg.gather [hbm:s4], $0x80, v0, vm1, $0x38;
	[tilespmem:$0x19320] =	vst v63  }
0x3c: {  	s18 =	simm.s32 $0x80;
	v0 =	vld.msk [tilespmem:s17+$0x0 ss:$0x1], $0xffff;
	s17 =	smov.u32 s14  }
.LBB2_3:
0x3d: {  	p1 =	sne.s32 s18, $0x600;
	_ =	sdelay $0x4  }
0x3e: {  	vm2 =	vgt.s32 v0, $0x0  }
0x3f: {  	v0 =	vnsel vm2, $0x0, v0  }
0x40: {  	v0 =	vmin.u32 v0, $0x1869F  }
0x41: {  	v0 =	vshll.u32 v0, $0x4;
	_ =	sdelay $0x3  }
.Ltmp3:
0x42: {  	s19 =	sshra.s32 s18, $0x2;
	s17 =	sadd.s32 $0x800, s17;
	(pc) =	sbr.rel @p1 .LBB2_3-.Ltmp3, $4  }
0x43: {  	[tilespmem:s17], [sflag:$0x1] =	stream.indirect_vreg.gather [hbm:s4], $0x80, v0, vm0, $0x38;
	[tilespmem:$0x19320] =	vst v63  }
0x44: {  	s19 =	sadd.s32 s19, s16;
	s20 =	sadd.s32 $0x400, s17  }
0x45: {  	[tilespmem:s20], [sflag:$0x1] =	stream.indirect_vreg.gather [hbm:s4], $0x80, v0, vm1, $0x38;
	[tilespmem:$0x19320] =	vst v63  }
0x46: {  	s18 =	sadd.s32 $0x40, s18;
	v0 =	vld.msk [tilespmem:s19+$0x0 ss:$0x1], $0xffff  }
0x47: {  	_ =	sdelay $0x3  }
0x48: {  	vm2 =	vgt.s32 v0, $0x0  }
0x49: {  	v0 =	vnsel vm2, $0x0, v0  }
0x4a: {  	v0 =	vmin.u32 v0, $0x1869F  }
0x4b: {  	v0 =	vshll.u32 v0, $0x4;
	_ =	sdelay $0x3  }
0x4c: {  	s16 =	sadd.s32 $0x800, s17  }
0x4d: {  	[tilespmem:s16], [sflag:$0x1] =	stream.indirect_vreg.gather [hbm:s4], $0x80, v0, vm0, $0x38;
	[tilespmem:$0x19320] =	vst v63  }
0x4e: {  	s16 =	sadd.s32 $0x400, s16  }
0x4f: {  	[tilespmem:s16], [sflag:$0x1] =	stream.indirect_vreg.gather [hbm:s4], $0x80, v0, vm1, $0x38;
	[tilespmem:$0x19320] =	vst v63  }
0x50: {  	s13 =	sshll.u32 s13, $0x4;
	_ =	swait.ge [sflag:s6], $0xC800  }
0x51: {  	s13 =	sadd.s32 s13, s9;
	[sflag:s6] =	ssyncset.done $0x0  }
0x52: {  	s17 =	sadd.s32 $0x0, s13;
	s16 =	simm.s32 $0x80;
	[sflag:s6] =	ssyncadd.s32 $0xFFFF3800  }
.LBB2_5:
0x53: {  	[hbm:s17] =	stream.linear.scatter [tilespmem:s14], [sflag:$0x3], $0x400, $0x38;
	[tilespmem:$0x19320] =	vst v63  }
0x54: {  	s17 =	smov.u32 s16;
	s14 =	smov.u32 s15;
	p1 =	sne.s32 s16, $0x1880  }
.Ltmp4:
0x55: {  	s16 =	sadd.s32 $0x80, s16;
	(pc) =	sbr.rel @p1 .LBB2_5-.Ltmp4, $2  }
0x56: {  	_ =	sdelay $0x2  }
0x57: {  	s15 =	sadd.s32 $0x400, s15;
	s17 =	sadd.s32 s17, s13  }
.Ltmp5:
0x58: {  	_ = 	snop;
	(pc) =	sbr.rel .LBB2_6-.Ltmp5, $1  }
0x59: {  	_ =	sdelay $0x3  }
.LBB2_8:
0x5a: {  	_ =	sfence.sel $0x180000  }
0x5b: {  	s1 =	simm.s32 $0x2;
	[bflag:$0x0] =	sbarrier.arrive $0xFFFF  }
0x5c: {  	s30 =	simm.s32 $0x3;
	[sflag:s1] =	ssyncpa.u1 $0x1  }
0x5d: {  	s31 =	simm.s32 $0x1;
	[sflag:s30] =	ssyncpa.u1 $0x1  }
0x5e: {  	[sflag:s31] =	ssyncpa.u1 $0x1  }
0x5f: {  	p0 =	sne.s32 s0, $0x0;
	_ =	strace $0x9000004A  }
0x60: {  	s0 =	sadd.s32 @!p0 $0x100000, s2;
	[bflag:$0x2] =	sbarrier.arrive $0xFFFF  }
0x61: {  	[sflag:s0] =	ssyncadd.tile.s32 @!p0 $0x1;
	_ =	shalt  }
.Lfunc_end2:
_tile_overlayer_lowered:
.L_overlay_start_2:
0x62: {  	(tag) =	ssettag $0x2  }
0x63: {  	s0 =	rddreg [dreg:$0x0];
	s2 =	stileid.u32  }
0x64: {  	s1 =	rddreg [dreg:$0x1];
	p0 =	sne.s32 s2, $0x0  }
0x65: {  	s3 =	rddreg [dreg:$0x2];
	[bflag:$0x3] =	sbarrier.arrive $0xFFFF;
	s2 =	simm.s32 @!p0 $0x1C01  }
0x66: {  	[timem:s3], [sflag:s2] =	dma.local @!p0 [hbm:s0], s1  }
0x67: {  	s0 =	simm.s32 @!p0 $0x1  }
0x68: {  	_ =	swait.ge @!p0 [sflag:s0], s1  }
0x69: {  	s1 =	ssub.s32 @!p0 $0x0, s1;
	[sflag:s0] =	ssyncset.done @!p0 $0x0  }
0x6a: {  	[sflag:s0] =	ssyncadd.s32 @!p0 s1  }
0x6b: {  	[bflag:$0x3] =	sbarrier.arrive $0xFFFF  }
0x6c: {  	_ =	shalt  }

// kernel: gather_offload_async_start
scs
__scs_entry_jumppad:
0x0: {  	(pc) =	sbr.rel $0x88, $3  }
0x1: {  	(tag) =	ssettag $0x0;
	lr =	simm.s32 $0x1  }
0x2: {  	[smem:$0x3F9E] =	sst lr;
	_ =	strace $0xD0000000  }
0x3: {  	_ = 	snop  }
0x4: {  	_ = 	snop  }
0x5: {  	_ = 	snop  }
0x6: {  	_ = 	snop  }
0x7: {  	_ = 	snop  }
__scs_overlays_trampoline_lowered:
0x8: {  	[smem:$0x3FAD] =	sst s0  }
0x9: {  	[smem:$0x3FAE] =	sst s1  }
0xa: {  	[smem:$0x3FAF] =	sst s2  }
0xb: {  	[smem:$0x3FB0] =	sst s3  }
0xc: {  	[smem:$0x3FB1] =	sst s4  }
0xd: {  	[smem:$0x3FB2] =	sst s5  }
0xe: {  	[smem:$0x3FB3] =	sst s6  }
0xf: {  	[smem:$0x3FB4] =	sst s7  }
0x10: {  	[smem:$0x3FB5] =	sst s8  }
0x11: {  	[smem:$0x3FB6] =	sst s9;
	s0 =	simm.s32 @!p0 $0x0  }
0x12: {  	s1 =	sld [smem:$0x3F9C];
	s0 =	simm.s32 @p0 $0x1  }
0x13: {  	[smem:$0x3FB7] =	sst s0;
	s0 =	simm.s32 @!p1 $0x0  }
0x14: {  	s2 =	sld [smem:$0x3F9B];
	s0 =	simm.s32 @p1 $0x1  }
0x15: {  	[smem:$0x3FB8] =	sst s0;
	s0 =	simm.s32 @!p2 $0x0  }
0x16: {  	s3 =	sld [smem:$0x3FDB];
	s0 =	simm.s32 @p2 $0x1  }
0x17: {  	s4 =	simm.s32 $0x1BF5;
	[smem:$0x3FBA] =	sst s0  }
0x18: {  	s0 =	sld [smem:$0x3F9D];
	_ =	swait.ge [sflag:s4], $0x0  }
0x19: {  	s7 =	sld [smem:$0x3F9E]  }
0x1a: {  	s8 =	sadd.s32 $0xFFFFE003, lr  }
0x1b: {  	s9 =	sadd.s32 $0xFFFFFEF7, lr;
	s5 =	simm.s32 $0xFFFFFFFF;
	p2 =	slt.u32 s8, $0xFFFFF086  }
0x1c: {  	p1 =	slt.u32 s9, $0xF7A;
	s5 =	simm.s32 @!p2 $0x0  }
0x1d: {  	s5 =	simm.s32 @p1 $0x1;
	p0 =	seq.s32 s7, s2  }
0x1e: {  	s7 =	smul.u32 @!p0 $0xF7A, s2;
	p2 =	seq.s32 @!p0 s5, $0x0  }
0x1f: {  	s9 =	smul.u32 $0xF7A, s1;
	s8 =	simm.s32 @!p0 $0x1BF5;
	p2 =	por !p2, p0  }
0x20: {  	[sflag:s8] =	ssyncset.s32 @!p0 $0xFFFFF086;
	s6 =	sadd.s32 @!p0 s3, s7;
	s7 =	simm.s32 @!p0 $0x108  }
0x21: {  	s3 =	sadd.s32 s3, s9;
	s6 =	sadd.s32 @!p0 $0x88, s6;
	s7 =	simm.s32 @p2 $0x1082  }
0x22: {  	[simem:s7], [sflag:s8] =	dma.local @!p0 [hbm:s6], $0xF7A  }
0x23: {  	s9 =	sor.u32 $0xD0000000, s2;
	s6 =	simm.s32 $0x108;
	_ =	swait.ge @!p0 [sflag:s8], $0x0  }
0x24: {  	s3 =	sadd.s32 $0x88, s3;
	s6 =	simm.s32 @!p1 $0x1082;
	[sflag:s4] =	ssyncset.s32 $0xFFFFF086  }
0x25: {  	[simem:s6], [sflag:s4] =	dma.local [hbm:s3], $0xF7A  }
0x26: {  	[smem:$0x3F9E] =	sst s1;
	(tag) =	ssettag s2;
	_ =	strace s9  }
0x27: {  	s1 =	sld [smem:$0x3FAE]  }
0x28: {  	s2 =	sld [smem:$0x3FAF]  }
0x29: {  	s4 =	sld [smem:$0x3FB1]  }
0x2a: {  	p0 =	seq.s32 s5, $0x0;
	s5 =	sld [smem:$0x3FB2]  }
0x2b: {  	s6 =	sld [smem:$0x3FB3]  }
0x2c: {  	s7 =	sld [smem:$0x3FB4]  }
0x2d: {  	s3 =	simm.s32 $0x108;
	s8 =	sld [smem:$0x3FB5]  }
0x2e: {  	s3 =	simm.s32 @!p0 $0x1082;
	s9 =	sld [smem:$0x3FB6]  }
0x2f: {  	lr =	sadd.s32 s0, s3;
	s0 =	sld [smem:$0x3FAD]  }
0x30: {  	s3 =	sld [smem:$0x3FB0]  }
0x31: {  	[smem:$0x3FB9] =	sst s10  }
0x32: {  	s10 =	sld [smem:$0x3FB7];
	_ =	sdelay $0x3  }
0x33: {  	p0 =	seq.s32 s10, $0x1;
	s10 =	sld [smem:$0x3FB9];
	_ =	sdelay $0x3  }
0x34: {  	[smem:$0x3FB9] =	sst s10  }
0x35: {  	s10 =	sld [smem:$0x3FB8];
	_ =	sdelay $0x3  }
0x36: {  	p1 =	seq.s32 s10, $0x1;
	s10 =	sld [smem:$0x3FB9];
	_ =	sdelay $0x3  }
0x37: {  	[smem:$0x3FB9] =	sst s10  }
0x38: {  	s10 =	sld [smem:$0x3FBA]  }
0x39: {  	_ = 	snop;
	(pc) =	sbr.ind lr, $3  }
0x3a: {  	_ = 	snop  }
0x3b: {  	_ = 	snop  }
0x3c: {  	p2 =	seq.s32 s10, $0x1;
	s10 =	sld [smem:$0x3FB9]  }
0x3d: {  	_ =	shalt  }
0x3e: {  	_ =	shalt  }
0x3f: {  	_ =	shalt  }
0x40: {  	_ =	shalt  }
0x41: {  	_ =	shalt  }
0x42: {  	_ =	shalt  }
0x43: {  	_ =	shalt  }
0x44: {  	_ =	shalt  }
0x45: {  	_ =	shalt  }
0x46: {  	_ =	shalt  }
0x47: {  	_ =	shalt  }
0x48: {  	_ =	shalt  }
0x49: {  	_ =	shalt  }
0x4a: {  	_ =	shalt  }
0x4b: {  	_ =	shalt  }
0x4c: {  	_ =	shalt  }
0x4d: {  	_ =	shalt  }
0x4e: {  	_ =	shalt  }
0x4f: {  	_ =	shalt  }
0x50: {  	_ =	shalt  }
0x51: {  	_ =	shalt  }
0x52: {  	_ =	shalt  }
0x53: {  	_ =	shalt  }
0x54: {  	_ =	shalt  }
0x55: {  	_ =	shalt  }
0x56: {  	_ =	shalt  }
0x57: {  	_ =	shalt  }
0x58: {  	_ =	shalt  }
0x59: {  	_ =	shalt  }
0x5a: {  	_ =	shalt  }
0x5b: {  	_ =	shalt  }
0x5c: {  	_ =	shalt  }
0x5d: {  	_ =	shalt  }
0x5e: {  	_ =	shalt  }
0x5f: {  	_ =	shalt  }
0x60: {  	_ =	shalt  }
0x61: {  	_ =	shalt  }
0x62: {  	_ =	shalt  }
0x63: {  	_ =	shalt  }
0x64: {  	_ =	shalt  }
0x65: {  	_ =	shalt  }
0x66: {  	_ =	shalt  }
0x67: {  	_ =	shalt  }
0x68: {  	_ =	shalt  }
0x69: {  	_ =	shalt  }
0x6a: {  	_ =	shalt  }
0x6b: {  	_ =	shalt  }
0x6c: {  	_ =	shalt  }
0x6d: {  	_ =	shalt  }
0x6e: {  	_ =	shalt  }
0x6f: {  	_ =	shalt  }
0x70: {  	_ =	shalt  }
0x71: {  	_ =	shalt  }
0x72: {  	_ =	shalt  }
0x73: {  	_ =	shalt  }
0x74: {  	_ =	shalt  }
0x75: {  	_ =	shalt  }
0x76: {  	_ =	shalt  }
0x77: {  	_ =	shalt  }
0x78: {  	_ =	shalt  }
0x79: {  	_ =	shalt  }
0x7a: {  	_ =	shalt  }
0x7b: {  	_ =	shalt  }
0x7c: {  	_ =	shalt  }
0x7d: {  	_ =	shalt  }
0x7e: {  	_ =	shalt  }
0x7f: {  	_ =	shalt  }
0x80: {  	_ =	shalt  }
0x81: {  	_ =	shalt  }
0x82: {  	_ =	shalt  }
0x83: {  	_ =	shalt  }
0x84: {  	_ =	shalt  }
0x85: {  	_ =	shalt  }
0x86: {  	_ =	shalt  }
0x87: {  	_ =	shalt  }
.Lfunc_end0:
.L_simem_size_0:
called_computation_lowered:
.L_overlay_start_0:
0x88: {  	s2 =	sld [smem:$0x3FD9]  }
0x89: {  	s3 =	sld [smem:$0x3FFE];
	_ =	sdelay $0x1  }
0x8a: {  	s1 =	srdreg.scid  }
0x8b: {  	s0 =	sand.u32 $0x1, s1  }
0x8c: {  	s16 =	sshll.u32 s0, $0xA;
	s2 =	sadd.s32 s3, s2  }
0x8d: {  	s2 =	sadd.s32 s2, s16  }
0x8e: {  	[smem:$0x3FC5] =	sst s2  }
0x8f: {  	_ = 	snop  }
0x90: {  	(tm) =	ssettm $0x1  }
0x91: {  	s17 =	sld [smem:$0x3FFB];
	_ =	sdelay $0x3  }
0x92: {  	_ =	strace s17  }
0x93: {  	s2 =	sld [smem:$0x3FFC];
	_ =	sdelay $0x3  }
0x94: {  	_ =	strace s2  }
0x95: {  	s2 =	sld [smem:$0x3FFD];
	_ =	sdelay $0x3  }
0x96: {  	_ =	strace s2  }
0x97: {  	_ =	strace $0x8FFFFFFF  }
0x98: {  	s18 =	sld [smem:$0x3FDB];
	_ =	sdelay $0x1  }
0x99: {  	s19 =	simm.s32 $_scs_section_size  }
0x9a: {  	s4 =	simm.s32 $_size__tile_overlayer_lowered;
	s5 =	simm.s32 $_tile_overlayer_lowered  }
0x9b: {  	s22 =	simm.s32 $0x1BFF;
	s21 =	sshll.u32 s5, $0x1;
	s2 =	sadd.s32 s19, s18  }
0x9c: {  	s6 =	simm.s32 $0x0;
	s20 =	sshll.u32 s4, $0x1;
	s4 =	sadd.s32 s21, s2  }
0x9d: {  	[timem:s6], [sflag:s22] =	dma.local [hbm:s4], s20  }
0x9e: {  	_ =	swait.ge [sflag:s22], s20  }
0x9f: {  	s3 =	ssub.s32 $0x0, s20;
	[sflag:s22] =	ssyncset.done $0x0  }
0xa0: {  	[sflag:s22] =	ssyncadd.s32 s3;
	_ =	sdelay $0x1  }
0xa1: {  	s23 =	simm.s32 $0x1B8B  }
0xa2: {  	_ =	swait.ge [sflag:s23], $0x1  }
0xa3: {  	[sflag:s23] =	ssyncset.done $0x0  }
0xa4: {  	s25 =	simm.s32 $0x1B8E;
	s24 =	sld [smem:$0x3FFE];
	[sflag:s23] =	ssyncadd.s32 $0xFFFFFFFF  }
0xa5: {  	s26 =	simm.s32 $execute0_lowered;
	[smem:$0x3FD2] =	sst s25  }
0xa6: {  	s4 =	sshll.u32 s26, $0x1;
	_ =	strace $0x80000046;
	[dreg:$0x1] =	wrdreg $0xFFFFFFFF  }
0xa7: {  	s28 =	simm.s32 $_size_execute0_lowered;
	s2 =	sadd.s32 s2, s4;
	[dreg:$0x0] =	wrdreg $0x0  }
0xa8: {  	s4 =	sshll.u32 s28, $0x1;
	[dreg:$0x2] =	wrdreg s2  }
0xa9: {  	[dreg:$0x3] =	wrdreg s4  }
0xaa: {  	[dreg:$0x4] =	wrdreg $0xC0  }
0xab: {  	_ =	task [dreg:s6], $0x5FFFF  }
0xac: {  	[dreg:$0x1] =	wrdreg $0xFFFFFFFF  }
0xad: {  	[dreg:$0x0] =	wrdreg $0x60  }
0xae: {  	[dreg:$0x2] =	wrdreg s24  }
0xaf: {  	[dreg:$0x3] =	wrdreg $0x9  }
0xb0: {  	_ =	task.clear_ibuf [dreg:s6], $0x4FFFF;
	_ =	strace $0x90000046  }
0xb1: {  	s29 =	simm.s32 $0x9;
	_ =	strace $0x80000048  }
0xb2: {  	_ =	swait.ge [sflag:s29], $0x1  }
0xb3: {  	[sflag:s29] =	ssyncadd.s32 $0xFFFFFFFF  }
0xb4: {  	_ =	strace $0x90000048  }
0xb5: {  	_ =	sfence  }
0xb6: {  	s30 =	sld [smem:$0x0];
	_ =	sdelay $0x2  }
0xb7: {  	s31 =	sshll.u32 s1, $0xD;
	s1 =	sshrl.u32 s1, $0x2  }
0xb8: {  	s3 =	sand.u32 $0x4000, s31;
	s1 =	sadd.s32 s1, s30  }
0xb9: {  	s0 =	sor.u32 s3, s0;
	s1 =	sshll.u32 s1, $0x11  }
0xba: {  	s0 =	sor.u32 s1, s0  }
0xbb: {  	s0 =	sadd.s32 $0x8F2B, s0  }
0xbc: {  	[sflag:s0] =	ssyncadd.remote.s32 $0x1  }
0xbd: {  	_ =	sfence.sel $0xFFFF  }
0xbe: {  	[dreg:$0x0] =	wrdreg $0xFFFFFFFF;
	(pc) =	sbr.abs _section_cstart, $3  }
0xbf: {  	[dreg:$0x1] =	wrdreg $0xFFFFFFFF  }
0xc0: {  	_ =	task.clear_ibuf [dreg:s6], $0x2FFFF;
	_ =	strace $0x9FFFFFFF  }
0xc1: {  	(tm) =	ssettm $0x7FFFFFFF  }
tec
execute0_lowered:
.L_overlay_start_1:
0x0: {  	(tag) =	ssettag $0x1  }
0x1: {  	s8 =	rddreg [dreg:$0x0]  }
0x2: {  	s0 =	rddreg [dreg:$0x1];
	_ =	strace $0x80000047;
	s1 =	stileid.u32  }
0x3: {  	s3 =	srdreg.scid;
	s4 =	simm.s32 $0x1;
	s7 =	simm.s32 $0x1  }
0x4: {  	s9 =	simm.s32 $0x1;
	s10 =	simm.s32 $0x3;
	s13 =	simm.s32 $0x0  }
0x5: {  	s12 =	simm.s32 $0x0;
	s5 =	sand.u32 $0x1, s3;
	s6 =	sshll.u32 s1, $0x1  }
0x6: {  	s2 =	sadd.s32 $0xC4000, s8;
	s3 =	sadd.s32 $0xD0800, s8;
	s5 =	sor.u32 s6, s5  }
.Ltmp0:
0x7: {  	[sflag:s4] =	ssyncpa.u1 $0x0;
	p0 =	slt.u32 s5, $0x13;
	(pc) =	sbr.rel .LBB2_1-.Ltmp0, $4  }
0x8: {  	s6 =	simm.s32 $0x2;
	s7 =	simm.s32 @!p0 $0x0;
	p0 =	sne.s32 s5, $0x12  }
0x9: {  	[sflag:s6] =	ssyncpa.u1 $0x0;
	s5 =	smul.u32 $0x7D0, s5;
	s9 =	simm.s32 @!p0 $0x0  }
0xa: {  	s8 =	sadd.s32 $0xD3C00, s8;
	[sflag:s10] =	ssyncpa.u1 $0x0;
	s7 =	sadd.s32 s9, s7  }
0xb: {  	vm0 =	vmmov $0xffff;
	s10 =	simm.s32 $0x0;
	s11 =	smov.u32 s5;
	s9 =	sadd.s32 $0x1, s7  }
.LBB2_4:
0xc: {  	v2 =	vnsel vm1, $0x0, v2  }
0xd: {  	vm1 =	vgt.s32 v0, $0x0;
	v2 =	vmin.u32 v2, $0x1869F  }
0xe: {  	v0 =	vnsel vm1, $0x0, v0  }
0xf: {  	v0 =	vmin.u32 v0, $0x1869F  }
0x10: {  	[tilespmem:s18], [sflag:$0x1] =	stream.indirect_vreg.gather [hbm4b:s2+s10], $0x1, v1, vm0, $0x4038;
	[tilespmem:$0x1F40] =	vst v63  }
0x11: {  	(ifvalue) =	ssetifvalue $0x7FFFFFFF  }
0x12: {  	[tilespmem:s15], [sflag:$0x1] =	stream.indirect_vreg.gather [hbm4b:s2+s10], $0x1, v2, vm0, $0x4038;
	[tilespmem:$0x1F40] =	vst v63  }
0x13: {  	s29 =	sadd.s32 $0x10, s15;
	(ifvalue) =	ssetifvalue $0x7FFFFFFF  }
0x14: {  	[tilespmem:s29], [sflag:$0x1] =	stream.indirect_vreg.gather [hbm4b:s2+s10], $0x1, v0, vm0, $0x4038;
	[tilespmem:$0x1F40] =	vst v63  }
0x15: {  	_ =	swait.ge [sflag:s4], $0x7D0  }
0x16: {  	s30 =	sshrl.u32 s13, $0x3;
	[sflag:s4] =	ssyncset.done $0x0  }
0x17: {  	s31 =	sand.u32 $0x7, s13;
	s15 =	sadd.s32 s8, s30;
	[sflag:s4] =	ssyncadd.s32 $0xFFFFF830  }
0x18: {  	[hbm4b:s15+s31] =	stream.linear.scatter [tilespmem:s14], [sflag:$0x3], $0x7D0, $0x38;
	[tilespmem:$0x1F40] =	vst v63  }
.LBB2_5:
0x19: {  	s15 =	sadd.s32 $0xFA00, s11  }
0x1a: {  	p1 =	sgt.s32 s15, $0x1869F  }
0x1b: {  	s15 =	smov.u32 @p1 s5;
	p1 =	sne.s32 s12, s9  }
.Ltmp1:
0x1c: {  	p0 =	slt.u32 s12, $0x2;
	(pc) =	sbr.rel @!p1 .LBB2_6-.Ltmp1, $4  }
0x1d: {  	s14 =	simm.s32 @!p0 $0x3  }
0x1e: {  	_ =	swait.ge @!p0 [sflag:s14], $0x7D0  }
0x1f: {  	s16 =	sadd.s32 $0x1, s12;
	s13 =	smov.u32 s11;
	[sflag:s14] =	ssyncset.done @!p0 $0x0  }
0x20: {  	s12 =	smov.u32 s16;
	s11 =	smov.u32 s15;
	[sflag:s14] =	ssyncadd.s32 @!p0 $0xFFFFF830  }
.LBB2_1:
0x21: {  	p0 =	sge.u32 s12, s7  }
0x22: {  	s14 =	sxor.u32 @!p0 $0x1, s12  }
0x23: {  	s14 =	smul.u32 @!p0 $0x1F40, s14  }
0x24: {  	s31 =	sadd.s32 $0xFFFFFFFF, s12;
	s15 =	sshrl.u32 @!p0 s11, $0x3  }
0x25: {  	s16 =	sand.u32 @!p0 $0x7, s11;
	s15 =	sadd.s32 @!p0 s3, s15;
	s14 =	sshra.s32 @!p0 s14, $0x2  }
0x26: {  	[tilespmem:s14], [sflag:$0x2] =	stream.linear.gather @!p0 [hbm4b:s15+s16], $0x7D0, $0x38;
	[tilespmem:$0x1F40] =	vst v63  }
0x27: {  	p0 =	sge.u32 s31, s7  }
.Ltmp2:
0x28: {  	_ = 	snop;
	(pc) =	sbr.rel @p0 .LBB2_5-.Ltmp2, $1  }
0x29: {  	_ =	sdelay $0x3  }
0x2a: {  	s14 =	sand.u32 $0x1, s12  }
0x2b: {  	_ =	swait.ge [sflag:s6], $0x7D0;
	p0 =	seq.s32 s14, $0x1;
	s14 =	simm.s32 $0x7D0  }
0x2c: {  	[sflag:s6] =	ssyncset.done $0x0;
	s14 =	simm.s32 @!p0 $0x0  }
0x2d: {  	[sflag:s6] =	ssyncadd.s32 $0xFFFFF830;
	(ifvalue) =	ssetifvalue $0x7FFFFFFF;
	v0 =	vld.msk [tilespmem:s14+$0x0 ss:$0x1], $0xffff;
	_ =	sdelay $0x4  }
0x2e: {  	s15 =	sadd.s32 $0x10, s14;
	vm1 =	vgt.s32 v0, $0x0  }
0x2f: {  	v2 =	vld.msk [tilespmem:s15+$0x0 ss:$0x1], $0xffff;
	v1 =	vnsel vm1, $0x0, v0  }
0x30: {  	v1 =	vmin.u32 v1, $0x1869F;
	_ =	sdelay $0x2  }
0x31: {  	s17 =	simm.s32 $0x20;
	s14 =	sadd.s32 $0xFA0, s14;
	s16 =	sadd.s32 $0x10, s15  }
0x32: {  	s15 =	sadd.s32 $0x10, s14;
	s18 =	smov.u32 s14;
	v0 =	vld.msk [tilespmem:s16+$0x0 ss:$0x1], $0xffff;
	vm1 =	vgt.s32 v2, $0x0;
	(ifvalue) =	ssetifvalue $0x7FFFFFFF  }
.LBB2_3:
0x33: {  	[tilespmem:s18], [sflag:$0x1] =	stream.indirect_vreg.gather [hbm4b:s2+s10], $0x1, v1, vm0, $0x4038;
	[tilespmem:$0x1F40] =	vst v63  }
0x34: {  	s17 =	sadd.s32 $0x10, s17  }
0x35: {  	v2 =	vnsel vm1, $0x0, v2;
	p0 =	slt.u32 s17, $0x7C0  }
.Ltmp3:
0x36: {  	s18 =	smov.u32 s15;
	v1 =	vmin.u32 v2, $0x1869F;
	(pc) =	sbr.rel @p0 .LBB2_3-.Ltmp3, $3  }
0x37: {  	_ =	sdelay $0x1  }
0x38: {  	s16 =	sadd.s32 $0x10, s16  }
0x39: {  	vm1 =	vgt.s32 v0, $0x0;
	s15 =	sadd.s32 $0x10, s15;
	v2 =	vmov v0;
	(ifvalue) =	ssetifvalue $0x7FFFFFFF;
	v0 =	vld.msk [tilespmem:s16+$0x0 ss:$0x1], $0xffff  }
.Ltmp4:
0x3a: {  	_ = 	snop;
	(pc) =	sbr.rel .LBB2_4-.Ltmp4, $1  }
0x3b: {  	_ =	sdelay $0x3  }
.LBB2_6:
0x3c: {  	_ =	sfence.sel $0x180000  }
0x3d: {  	s2 =	simm.s32 $0x2;
	[bflag:$0x0] =	sbarrier.arrive $0xFFFF  }
0x3e: {  	s30 =	simm.s32 $0x3;
	[sflag:s2] =	ssyncpa.u1 $0x1  }
0x3f: {  	s31 =	simm.s32 $0x1;
	[sflag:s30] =	ssyncpa.u1 $0x1  }
0x40: {  	[sflag:s31] =	ssyncpa.u1 $0x1  }
0x41: {  	p0 =	sne.s32 s1, $0x0;
	_ =	strace $0x90000047  }
0x42: {  	s0 =	sadd.s32 @!p0 $0x100000, s0;
	[bflag:$0x2] =	sbarrier.arrive $0xFFFF  }
0x43: {  	[sflag:s0] =	ssyncadd.tile.s32 @!p0 $0x1;
	_ =	shalt  }
.Lfunc_end2:
_tile_overlayer_lowered:
.L_overlay_start_2:
0x44: {  	(tag) =	ssettag $0x2  }
0x45: {  	s0 =	rddreg [dreg:$0x0];
	s2 =	stileid.u32  }
0x46: {  	s1 =	rddreg [dreg:$0x1];
	p0 =	sne.s32 s2, $0x0  }
0x47: {  	s3 =	rddreg [dreg:$0x2];
	[bflag:$0x3] =	sbarrier.arrive $0xFFFF;
	s2 =	simm.s32 @!p0 $0x1C01  }
0x48: {  	[timem:s3], [sflag:s2] =	dma.local @!p0 [hbm:s0], s1  }
0x49: {  	s0 =	simm.s32 @!p0 $0x1  }
0x4a: {  	_ =	swait.ge @!p0 [sflag:s0], s1  }
0x4b: {  	s1 =	ssub.s32 @!p0 $0x0, s1;
	[sflag:s0] =	ssyncset.done @!p0 $0x0  }
0x4c: {  	[sflag:s0] =	ssyncadd.s32 @!p0 s1  }
0x4d: {  	[bflag:$0x3] =	sbarrier.arrive $0xFFFF  }
0x4e: {  	_ =	shalt  }

</sc_bundles>
